<compile_context>
chip_gen: v7x
topology: tpu7x:2x2x1
jax: 0.10.2.dev20260603
libtpu: 0.0.44.dev20260713+nightly
codegen_flags: <defaults>
</compile_context>

<pallas_src>
import functools

import jax
import jax.numpy as jnp
from jax import lax
from jax.experimental import pallas as pl
from jax.experimental.pallas import tpu as pltpu
from jax.experimental.pallas import tpu_sc as plsc

_NA = 50000
_NM = 2000
_DIM = 128
_TW = 128


def _sc_gather(table, idx_all, b_pad, chunk):
    mesh = plsc.VectorSubcoreMesh(core_axis_name="c", subcore_axis_name="s")
    info = plsc.get_sparse_core_info()
    nw = info.num_cores * info.num_subcores
    b_per_w = b_pad // nw
    n_chunks = b_per_w // chunk

    @functools.partial(
        pl.kernel, mesh=mesh,
        out_type=jax.ShapeDtypeStruct((b_pad, _TW), jnp.float32),
        scratch_types=[
            pltpu.VMEM((chunk,), jnp.int32),
            pltpu.VMEM((chunk, _TW), jnp.float32),
            pltpu.SemaphoreType.DMA,
        ],
    )
    def gk(idx_hbm, table_hbm, out_hbm, idx_v, rows_v, sem):
        wid = lax.axis_index("s") * info.num_cores + lax.axis_index("c")
        base = wid * b_per_w

        def body(j, carry):
            off = base + j * chunk
            pltpu.sync_copy(idx_hbm.at[pl.ds(off, chunk)], idx_v)
            pltpu.async_copy(table_hbm.at[idx_v], rows_v, sem).wait()
            pltpu.sync_copy(rows_v, out_hbm.at[pl.ds(off, chunk)])
            return carry

        lax.fori_loop(0, n_chunks, body, 0)

    return gk(idx_all, table)



def _proj_kernel(h_ref, w_ref, b_ref, o_ref):
    o_ref[...] = jnp.dot(h_ref[...], w_ref[...],
                         preferred_element_type=jnp.float32) + b_ref[...]


def _segsum_kernel(ids_ref, h_ref, o_ref):
    i = pl.program_id(0)

    @pl.when(i == 0)
    def _():
        o_ref[...] = jnp.zeros_like(o_ref)

    ids = ids_ref[...]
    mol_iota = jax.lax.broadcasted_iota(jnp.int32, (ids.shape[0], _NM), 1)
    onehot = (ids == mol_iota).astype(jnp.float32)
    o_ref[...] += jax.lax.dot_general(
        onehot, h_ref[...], (((0,), (0,)), ((), ())),
        preferred_element_type=jnp.float32)


def _mol_mlp_kernel(hm_ref, w1_ref, b1_ref, w2_ref, b2_ref, o_ref):
    t = jnp.tanh(jnp.dot(hm_ref[...], w1_ref[...],
                         preferred_element_type=jnp.float32) + b1_ref[...])
    o_ref[...] = jnp.dot(t, w2_ref[...],
                         preferred_element_type=jnp.float32) + b2_ref[...]


def _sum2_kernel(c, a_ref, b_ref, ok_ref, oe_ref):
    ok_ref[...] = a_ref[:, c:c + 1] + b_ref[:, c:c + 1]
    oe_ref[...] = a_ref[:, c + 1:c + 2] + b_ref[:, c + 1:c + 2]


def _sum3_kernel(a_ref, b_ref, c_ref, ok_ref, oe_ref):
    ok_ref[...] = a_ref[:, 6:7] + b_ref[:, 6:7] + c_ref[:, 8:9]
    oe_ref[...] = a_ref[:, 7:8] + b_ref[:, 7:8] + c_ref[:, 9:10]


def _pair_kernel(g0_ref, g1_ref, oeps_ref, osig_ref):
    oeps_ref[...] = jnp.sqrt(jnp.abs(g0_ref[:, 0:1] * g1_ref[:, 0:1]))
    osig_ref[...] = g0_ref[:, 1:2] * g1_ref[:, 1:2]



def _pad_rows(x, rows):
    return jnp.concatenate(
        [x, jnp.zeros((rows - x.shape[0],) + x.shape[1:], x.dtype)], axis=0)


def _as_blocks(v, n_pad):
    v = jnp.concatenate([v, jnp.zeros((n_pad - v.shape[0],), v.dtype)])
    return v.reshape(n_pad // 128, 128)


def _pad_idx(idx, n_pad):
    return jnp.concatenate(
        [idx, jnp.zeros((n_pad - idx.shape[0],), idx.dtype)])


def _ew_call(body, g, starts, ln):
    blk = 1024
    outs = pl.pallas_call(
        body,
        grid=(ln // blk,),
        in_specs=[pl.BlockSpec((blk, _DIM), lambda i, s=st // blk: (s + i, 0))
                  for st in starts],
        out_specs=[pl.BlockSpec((blk, 1), lambda i: (i, 0))] * 2,
        out_shape=[jax.ShapeDtypeStruct((ln, 1), jnp.float32)] * 2,
    )(*([g] * len(starts)))
    return [o.reshape(-1) for o in outs]


def kernel(h, bond_idx, angle_idx0, angle_idx1, angle_idx2, torsion_idx2,
           torsion_idx3, mol_ids, one_four_idx, nonbonded_idx,
           atom_W1, atom_b1, atom_W2, atom_b2,
           bond_W1, bond_b1, bond_W2, bond_b2,
           angle_W1, angle_b1, angle_W2, angle_b2,
           torsion_W1, torsion_b1, torsion_W2, torsion_b2,
           angle0_W, angle0_b, mol_W1, mol_b1, mol_W2, mol_b2):
    f32 = jnp.float32
    d = h.shape[1]

    wc_atom = atom_W1 @ atom_W2
    bc_atom = atom_b1 @ atom_W2 + atom_b2
    wc_bond = bond_W1 @ bond_W2
    bc_bond = bond_b1 @ bond_W2 + bond_b2
    wc_tor = torsion_W1 @ torsion_W2
    bc_tor = torsion_b1 @ torsion_W2 + torsion_b2
    wc_ang = angle_W1 @ angle_W2
    bc_ang = angle_b1 @ angle_W2 + angle_b2
    wa = angle0_W[:d]
    wb = angle0_W[d:2 * d]
    wcq = angle0_W[2 * d:]
    w_ang_ac = (wa + wcq) @ wc_ang
    w_ang_b = 2.0 * (wb @ wc_ang)
    c_ang = 2.0 * (angle0_b @ wc_ang) + bc_ang

    wbig = jnp.zeros((d, _DIM), f32)
    wbig = wbig.at[:, 0:2].set(wc_atom)
    wbig = wbig.at[:, 2:4].set(wc_bond)
    wbig = wbig.at[:, 4:6].set(wc_tor)
    wbig = wbig.at[:, 6:8].set(w_ang_ac)
    wbig = wbig.at[:, 8:10].set(w_ang_b)
    bvec = jnp.zeros((_DIM,), f32)
    bvec = bvec.at[0:2].set(bc_atom)
    bvec = bvec.at[2:4].set(0.5 * bc_bond)
    bvec = bvec.at[4:6].set(0.5 * bc_tor)
    bvec = bvec.at[8:10].set(c_ang)

    blk = 2000
    p = pl.pallas_call(
        _proj_kernel,
        grid=(_NA // blk,),
        in_specs=[pl.BlockSpec((blk, d), lambda i: (i, 0)),
                  pl.BlockSpec((d, _DIM), lambda i: (0, 0)),
                  pl.BlockSpec((1, _DIM), lambda i: (0, 0))],
        out_specs=pl.BlockSpec((blk, _DIM), lambda i: (i, 0)),
        out_shape=jax.ShapeDtypeStruct((_NA, _DIM), f32),
    )(h, wbig, bvec[None, :])

    k_atom = p[:, 0]
    eq_atom = p[:, 1]
    pk_bond = p[:, 2]
    pe_bond = p[:, 3]
    pk_tor = p[:, 4]
    pe_tor = p[:, 5]
    pk_ac = p[:, 6]
    pe_ac = p[:, 7]
    pk_b = p[:, 8]
    pe_b = p[:, 9]

    ba = 512
    na_pad = ((_NA + ba - 1) // ba) * ba
    h_pad = _pad_rows(h, na_pad)
    ids_pad = jnp.concatenate(
        [mol_ids.astype(jnp.int32),
         jnp.full((na_pad - _NA,), -1, jnp.int32)]).reshape(na_pad, 1)
    h_mol = pl.pallas_call(
        _segsum_kernel,
        grid=(na_pad // ba,),
        in_specs=[pl.BlockSpec((ba, 1), lambda i: (i, 0)),
                  pl.BlockSpec((ba, d), lambda i: (i, 0))],
        out_specs=pl.BlockSpec((_NM, d), lambda i: (0, 0)),
        out_shape=jax.ShapeDtypeStruct((_NM, d), f32),
    )(ids_pad, h_pad)

    ru = mol_W1.shape[1]
    w2p = jnp.zeros((ru, _DIM), f32).at[:, 0:1].set(mol_W2)
    b2p = jnp.zeros((_DIM,), f32).at[0:1].set(mol_b2)
    u0 = pl.pallas_call(
        _mol_mlp_kernel,
        out_shape=jax.ShapeDtypeStruct((_NM, _DIM), f32),
    )(h_mol, mol_W1, mol_b1[None, :], w2p, b2p[None, :])[:, 0]

    def pad_to(n):
        return ((n + 1023) // 1024) * 1024

    table = p

    n_bond = bond_idx.shape[1]
    n_tor = torsion_idx2.shape[0]
    n_ang = angle_idx0.shape[0]
    n_14 = one_four_idx.shape[1]
    n_nb = nonbonded_idx.shape[1]
    np_b, np_t, np_g = pad_to(n_bond), pad_to(n_tor), pad_to(n_ang)
    np_f, np_n = pad_to(n_14), pad_to(n_nb)

    segs = [bond_idx[0], bond_idx[1], torsion_idx3, torsion_idx2,
            angle_idx0, angle_idx2, angle_idx1,
            one_four_idx[0], one_four_idx[1],
            nonbonded_idx[0], nonbonded_idx[1]]
    lens = [np_b, np_b, np_t, np_t, np_g, np_g, np_g,
            np_f, np_f, np_n, np_n]
    offs = []
    o = 0
    for ln in lens:
        offs.append(o)
        o += ln
    chunk = 256
    info = plsc.get_sparse_core_info()
    gran = chunk * info.num_cores * info.num_subcores
    b_pad = ((o + gran - 1) // gran) * gran
    idx_all = jnp.concatenate(
        [jnp.concatenate([s.astype(jnp.int32),
                          jnp.zeros((ln - s.shape[0],), jnp.int32)])
         for s, ln in zip(segs, lens)] +
        [jnp.zeros((b_pad - o,), jnp.int32)])

    g = _sc_gather(table, idx_all, b_pad, chunk)

    kb, eb = _ew_call(functools.partial(_sum2_kernel, 2), g,
                      [offs[0], offs[1]], np_b)
    k_bond = kb[:n_bond]
    eq_bond = eb[:n_bond]

    kt, et = _ew_call(functools.partial(_sum2_kernel, 4), g,
                      [offs[2], offs[3]], np_t)
    k_torsion = kt[:n_tor]
    eq_torsion = et[:n_tor]

    ka, ea = _ew_call(_sum3_kernel, g, [offs[4], offs[5], offs[6]], np_g)
    k_angle = ka[:n_ang]
    eq_angle = ea[:n_ang]

    eps14, sig14 = _ew_call(_pair_kernel, g, [offs[7], offs[8]], np_f)
    eps14 = eps14[:n_14]
    sig14 = sig14[:n_14]

    epsnb, signb = _ew_call(_pair_kernel, g, [offs[9], offs[10]], np_n)
    epsnb = epsnb[:n_nb]
    signb = signb[:n_nb]

    return (k_atom, eq_atom, k_bond, eq_bond, k_angle, eq_angle,
            k_torsion, eq_torsion, u0, eps14, sig14, epsnb, signb)

# --- scband reference (transcript-rebuilt; emitter-appended) ---
"""Pipeline reference for scband-param-readout-81784767250540 (READ-ONLY COPY).

The authoritative reference and input builder live on the scoring server;
editing this copy changes nothing except your own understanding.
"""

import jax, jax.numpy as jnp
import numpy as np

N_ATOMS = 50000
N_BONDS = 50000
N_ANGLES = 100000
N_TORSIONS = 150000
N_MOLS = 2000
N_14 = 200000
N_NB = 500000
D = 256
RU = 512


def setup_inputs(seed: int = 0):
    key = jax.random.key(seed)
    ks = jax.random.split(key, 40)
    inp = {}
    inp['h'] = jax.random.normal(ks[0], (N_ATOMS, D), dtype=jnp.float32)
    inp['bond_idx'] = jax.random.randint(ks[1], (2, N_BONDS), 0, N_ATOMS)
    inp['angle_idx0'] = jax.random.randint(ks[2], (N_ANGLES,), 0, N_ATOMS)
    inp['angle_idx1'] = jax.random.randint(ks[3], (N_ANGLES,), 0, N_ATOMS)
    inp['angle_idx2'] = jax.random.randint(ks[4], (N_ANGLES,), 0, N_ATOMS)
    inp['torsion_idx2'] = jax.random.randint(ks[5], (N_TORSIONS,), 0, N_ATOMS)
    inp['torsion_idx3'] = jax.random.randint(ks[6], (N_TORSIONS,), 0, N_ATOMS)
    inp['mol_ids'] = jax.random.randint(ks[7], (N_ATOMS,), 0, N_MOLS)
    inp['one_four_idx'] = jax.random.randint(ks[8], (2, N_14), 0, N_ATOMS)
    inp['nonbonded_idx'] = jax.random.randint(ks[9], (2, N_NB), 0, N_ATOMS)
    i = 10
    for term in ['atom', 'bond', 'angle', 'torsion']:
        inp[term + '_W1'] = jax.random.normal(ks[i], (D, RU), dtype=jnp.float32) * (1.0 / np.sqrt(D)); i += 1
        inp[term + '_b1'] = jnp.zeros((RU,), dtype=jnp.float32)
        inp[term + '_W2'] = jax.random.normal(ks[i], (RU, 2), dtype=jnp.float32) * (1.0 / np.sqrt(RU)); i += 1
        inp[term + '_b2'] = jnp.zeros((2,), dtype=jnp.float32)
    inp['angle0_W'] = jax.random.normal(ks[i], (3 * D, D), dtype=jnp.float32) * (1.0 / np.sqrt(3 * D)); i += 1
    inp['angle0_b'] = jnp.zeros((D,), dtype=jnp.float32)
    inp['mol_W1'] = jax.random.normal(ks[i], (D, RU), dtype=jnp.float32) * (1.0 / np.sqrt(D)); i += 1
    inp['mol_b1'] = jnp.zeros((RU,), dtype=jnp.float32)
    inp['mol_W2'] = jax.random.normal(ks[i], (RU, 1), dtype=jnp.float32) * (1.0 / np.sqrt(RU)); i += 1
    inp['mol_b2'] = jnp.zeros((1,), dtype=jnp.float32)
    return inp


def _readout(x, W1, b1, W2, b2):
    y = (x @ W1 + b1) @ W2 + b2
    return y[:, 0], y[:, 1]


def reference(h, bond_idx, angle_idx0, angle_idx1, angle_idx2, torsion_idx2, torsion_idx3, mol_ids, one_four_idx, nonbonded_idx, atom_W1, atom_b1, atom_W2, atom_b2, bond_W1, bond_b1, bond_W2, bond_b2, angle_W1, angle_b1, angle_W2, angle_b2, torsion_W1, torsion_b1, torsion_W2, torsion_b2, angle0_W, angle0_b, mol_W1, mol_b1, mol_W2, mol_b2):
    # atom_in_mol: sum atom h into mol nodes
    h_mol = jax.ops.segment_sum(h, mol_ids, num_segments=N_MOLS)
    # atom_in_bond: each bond sums its two atoms
    h_bond = h[bond_idx[0]] + h[bond_idx[1]]
    # angle: one atom per position -> sum over single edge == gather
    h0 = h[angle_idx0]
    h1 = h[angle_idx1]
    h2 = h[angle_idx2]
    h012 = jnp.concatenate([h0, h1, h2], axis=-1)
    h210 = jnp.concatenate([h2, h1, h0], axis=-1)
    h_angle = (h012 @ angle0_W + angle0_b) + (h210 @ angle0_W + angle0_b)
    # torsion: sequential update_all writes overwrite 'h_01'; final h_01 comes from etype atom_as_3
    h_01 = h[torsion_idx3]
    h_32 = h[torsion_idx2]
    h_torsion = h_01 + h_32
    k_atom, eq_atom = _readout(h, atom_W1, atom_b1, atom_W2, atom_b2)
    k_bond, eq_bond = _readout(h_bond, bond_W1, bond_b1, bond_W2, bond_b2)
    k_angle, eq_angle = _readout(h_angle, angle_W1, angle_b1, angle_W2, angle_b2)
    k_torsion, eq_torsion = _readout(h_torsion, torsion_W1, torsion_b1, torsion_W2, torsion_b2)
    u0 = jnp.squeeze(jnp.tanh(h_mol @ mol_W1 + mol_b1) @ mol_W2 + mol_b2)
    # pairwise prod reduce over the two incident atoms of each 1-4 / nonbonded pair node
    eps14 = jnp.sqrt(jnp.abs(k_atom[one_four_idx[0]] * k_atom[one_four_idx[1]]))
    sig14 = eq_atom[one_four_idx[0]] * eq_atom[one_four_idx[1]]
    epsnb = jnp.sqrt(jnp.abs(k_atom[nonbonded_idx[0]] * k_atom[nonbonded_idx[1]]))
    signb = eq_atom[nonbonded_idx[0]] * eq_atom[nonbonded_idx[1]]
    return (k_atom, eq_atom, k_bond, eq_bond, k_angle, eq_angle, k_torsion, eq_torsion, u0, eps14, sig14, epsnb, signb)

if __name__ == "__main__":
    import jax
    _d = setup_inputs()
    print(jax.jit(kernel)(*tuple(_d.values())))

</pallas_src>

<mosaic_0001>
#map = affine_map<(d0, d1) -> (0)>
#map1 = affine_map<(d0, d1) -> (0, 0)>
module attributes {stable_mosaic.version = 14 : i64} {
  func.func @gk(%arg0: i32, %arg1: i32, %arg2: memref<2105344xi32, #tpu.memory_space<hbm>>, %arg3: memref<50000x128xf32, #tpu.memory_space<hbm>>, %arg4: memref<2105344x128xf32, #tpu.memory_space<hbm>>, %arg5: memref<256xi32, #tpu.memory_space<vmem>>, %arg6: memref<256x128xf32, #tpu.memory_space<vmem>>, %arg7: memref<!tpu.dma_semaphore, #tpu.memory_space<semaphore_mem>>) attributes {dimension_semantics = [#tpu.dimension_semantics<core_parallel>, #tpu.dimension_semantics<subcore_parallel>], iteration_bounds = array<i64: 2, 16>, scalar_prefetch = 0 : i64, scratch_operands = 3 : i64, tpu.core_type = #tpu.core_type<sc_vector_subcore>, window_params = [{transform_indices = #map}, {transform_indices = #map1}, {transform_indices = #map1}]} {
    %mul3A = arith.constant 2 : i32
    %mul3A_0 = arith.muli %arg1, %mul3A : i32
    %add3A = arith.addi %mul3A_0, %arg0 : i32
    %mul3A_1 = arith.constant 65792 : i32
    %mul3A_2 = arith.muli %add3A, %mul3A_1 : i32
    %scan3A = arith.constant 0 : i32
    %scan3A_3 = arith.constant 0 : i32
    %scan3A_4 = arith.constant 257 : i32
    %scan3A_5 = arith.addi %scan3A_3, %scan3A_4 : i32
    %scan3A_6 = arith.constant 1 : i32
    scf.for %scan3A_8 = %scan3A_3 to %scan3A_5 step %scan3A_6  : i32 {
      %mul3A_9 = arith.constant 256 : i32
      %mul3A_10 = arith.muli %scan3A_8, %mul3A_9 : i32
      %add3A_11 = arith.addi %mul3A_2, %mul3A_10 : i32
      "tpu.region"() ({
        %run_scoped3A = tpu.sem_alloc : memref<!tpu.dma_semaphore, #tpu.memory_space<semaphore_mem>>
        %dma_start3A_16 = tpu.memref_slice %arg2[%add3A_11] : memref<2105344xi32, #tpu.memory_space<hbm>> -> memref<256xi32, #tpu.memory_space<hbm>>
        %dma_start3A_17 = tpu.memref_slice %arg2[%add3A_11] : memref<2105344xi32, #tpu.memory_space<hbm>> -> memref<256xi32, #tpu.memory_space<hbm>>
        tpu.enqueue_dma source(%dma_start3A_17 : memref<256xi32, #tpu.memory_space<hbm>>) target(%arg5 : memref<256xi32, #tpu.memory_space<vmem>>) target_semaphore(%run_scoped3A : memref<!tpu.dma_semaphore, #tpu.memory_space<semaphore_mem>>)
        %dma_wait3A_18 = tpu.memref_slice %arg2[%add3A_11] : memref<2105344xi32, #tpu.memory_space<hbm>> -> memref<256xi32, #tpu.memory_space<hbm>>
        %dma_wait3A_19 = tpu.memref_slice %arg2[%add3A_11] : memref<2105344xi32, #tpu.memory_space<hbm>> -> memref<256xi32, #tpu.memory_space<hbm>>
        tpu.wait_dma2 semaphore(%run_scoped3A : memref<!tpu.dma_semaphore, #tpu.memory_space<semaphore_mem>>) src(%dma_wait3A_19 : memref<256xi32, #tpu.memory_space<hbm>>) dst(%arg5 : memref<256xi32, #tpu.memory_space<vmem>>)
        tpu.yield
      }) : () -> ()
      %dma_start3A = arith.constant 0 : i32
      %dma_start3A_12 = arith.constant 0 : i32
      %dma_start3A_13 = tpu.memref_slice %arg3[%dma_start3A, %dma_start3A_12] : memref<50000x128xf32, #tpu.memory_space<hbm>> -> memref<50000x128xf32, #tpu.memory_space<hbm>>
      tpu.enqueue_indirect_dma source(%dma_start3A_13 : memref<50000x128xf32, #tpu.memory_space<hbm>>) target(%arg6 : memref<256x128xf32, #tpu.memory_space<vmem>>) offsets(%arg5 : memref<256xi32, #tpu.memory_space<vmem>>) semaphore(%arg7 : memref<!tpu.dma_semaphore, #tpu.memory_space<semaphore_mem>>)
      %dma_wait3A = arith.constant 0 : i32
      %dma_wait3A_14 = arith.constant 0 : i32
      %dma_wait3A_15 = tpu.memref_slice %arg3[%dma_wait3A, %dma_wait3A_14] : memref<50000x128xf32, #tpu.memory_space<hbm>> -> memref<50000x128xf32, #tpu.memory_space<hbm>>
      tpu.wait_indirect_dma semaphore(%arg7 : memref<!tpu.dma_semaphore, #tpu.memory_space<semaphore_mem>>) src(%dma_wait3A_15 : memref<50000x128xf32, #tpu.memory_space<hbm>>) dst(%arg6 : memref<256x128xf32, #tpu.memory_space<vmem>>)
      "tpu.region"() ({
        %run_scoped3A = tpu.sem_alloc : memref<!tpu.dma_semaphore, #tpu.memory_space<semaphore_mem>>
        %dma_start3A_16 = arith.constant 0 : i32
        %dma_start3A_17 = tpu.memref_slice %arg4[%add3A_11, %dma_start3A_16] : memref<2105344x128xf32, #tpu.memory_space<hbm>> -> memref<256x128xf32, #tpu.memory_space<hbm>>
        %dma_start3A_18 = arith.constant 0 : i32
        %dma_start3A_19 = tpu.memref_slice %arg4[%add3A_11, %dma_start3A_18] : memref<2105344x128xf32, #tpu.memory_space<hbm>> -> memref<256x128xf32, #tpu.memory_space<hbm>>
        tpu.enqueue_dma source(%arg6 : memref<256x128xf32, #tpu.memory_space<vmem>>) target(%dma_start3A_19 : memref<256x128xf32, #tpu.memory_space<hbm>>) target_semaphore(%run_scoped3A : memref<!tpu.dma_semaphore, #tpu.memory_space<semaphore_mem>>)
        %dma_wait3A_20 = arith.constant 0 : i32
        %dma_wait3A_21 = tpu.memref_slice %arg4[%add3A_11, %dma_wait3A_20] : memref<2105344x128xf32, #tpu.memory_space<hbm>> -> memref<256x128xf32, #tpu.memory_space<hbm>>
        %dma_wait3A_22 = arith.constant 0 : i32
        %dma_wait3A_23 = tpu.memref_slice %arg4[%add3A_11, %dma_wait3A_22] : memref<2105344x128xf32, #tpu.memory_space<hbm>> -> memref<256x128xf32, #tpu.memory_space<hbm>>
        tpu.wait_dma2 semaphore(%run_scoped3A : memref<!tpu.dma_semaphore, #tpu.memory_space<semaphore_mem>>) src(%arg6 : memref<256x128xf32, #tpu.memory_space<vmem>>) dst(%dma_wait3A_23 : memref<256x128xf32, #tpu.memory_space<hbm>>)
        tpu.yield
      }) : () -> ()
    }
    %scan3A_7 = arith.constant 257 : i32
    return
  }
}

module attributes {stable_mosaic.version = 14 : i64} {
  func.func @_proj_kernel(%arg0: i32, %arg1: memref<2000x256xf32, #tpu.memory_space<vmem>>, %arg2: memref<256x128xf32, #tpu.memory_space<vmem>>, %arg3: memref<1x128xf32, #tpu.memory_space<vmem>>, %arg4: memref<2000x128xf32, #tpu.memory_space<vmem>>) attributes {dimension_semantics = [#tpu.dimension_semantics<arbitrary>], iteration_bounds = array<i64: 25>, scalar_prefetch = 0 : i64, scratch_operands = 0 : i64, tpu.core_type = #tpu.core_type<tc>, window_params = [{transform_indices = @transform_0, window_bounds = array<i64: 2000, 256>}, {pipeline_mode = #tpu.pipeline_mode<synchronous>, transform_indices = @transform_1, window_bounds = array<i64: 256, 128>}, {pipeline_mode = #tpu.pipeline_mode<synchronous>, transform_indices = @transform_2, window_bounds = array<i64: 1, 128>}, {transform_indices = @transform_3, window_bounds = array<i64: 2000, 128>}]} {
    %get3A = arith.constant 0 : index
    %get3A_0 = arith.constant 0 : index
    %get3A_1 = vector.load %arg1[%get3A, %get3A_0] : memref<2000x256xf32, #tpu.memory_space<vmem>>, vector<2000x256xf32>
    %get3A_2 = arith.constant 0 : index
    %get3A_3 = arith.constant 0 : index
    %get3A_4 = vector.load %arg2[%get3A_2, %get3A_3] : memref<256x128xf32, #tpu.memory_space<vmem>>, vector<256x128xf32>
    %dot_general3A = arith.constant dense<0.000000e+00> : vector<2000x128xf32>
    %dot_general3A_5 = tpu.matmul %get3A_1, %get3A_4, %dot_general3A {dimension_numbers = #tpu.dot_dimension_numbers<[1], [0], [0], [1], [0, 0, 1, 1], [], []>, transpose_lhs_hint = false} : vector<2000x256xf32>, vector<256x128xf32>, vector<2000x128xf32> -> vector<2000x128xf32>
    %get3A_6 = arith.constant 0 : index
    %get3A_7 = arith.constant 0 : index
    %get3A_8 = vector.load %arg3[%get3A_6, %get3A_7] : memref<1x128xf32, #tpu.memory_space<vmem>>, vector<1x128xf32>
    %add3A = vector.broadcast %get3A_8 : vector<1x128xf32> to vector<2000x128xf32>
    %add3A_9 = arith.addf %dot_general3A_5, %add3A : vector<2000x128xf32>
    %swap3A = arith.constant 0 : index
    %swap3A_10 = arith.constant 0 : index
    %swap3A_11 = vector.load %arg4[%swap3A, %swap3A_10] : memref<2000x128xf32, #tpu.memory_space<vmem>>, vector<2000x128xf32>
    tpu.vector_store %arg4[%swap3A, %swap3A_10], %add3A_9 {strides = array<i32>} : memref<2000x128xf32, #tpu.memory_space<vmem>>, vector<2000x128xf32>,
    return
  }
  func.func @transform_0(%arg0: i32) -> (i32, i32) {
    %c0_i32 = arith.constant 0 : i32
    %c0_i32_0 = arith.constant 0 : i32
    return %arg0, %c0_i32 : i32, i32
  }
  func.func @transform_1(%arg0: i32) -> (i32, i32) {
    %c0_i32 = arith.constant 0 : i32
    %c0_i32_0 = arith.constant 0 : i32
    %c0_i32_1 = arith.constant 0 : i32
    return %c0_i32, %c0_i32_0 : i32, i32
  }
  func.func @transform_2(%arg0: i32) -> (i32, i32) {
    %c0_i32 = arith.constant 0 : i32
    %c0_i32_0 = arith.constant 0 : i32
    %c0_i32_1 = arith.constant 0 : i32
    return %c0_i32, %c0_i32_0 : i32, i32
  }
  func.func @transform_3(%arg0: i32) -> (i32, i32) {
    %c0_i32 = arith.constant 0 : i32
    %c0_i32_0 = arith.constant 0 : i32
    return %arg0, %c0_i32 : i32, i32
  }
}

module attributes {stable_mosaic.version = 14 : i64} {
  func.func @_segsum_kernel(%arg0: i32, %arg1: memref<512x1xi32, #tpu.memory_space<vmem>>, %arg2: memref<512x256xf32, #tpu.memory_space<vmem>>, %arg3: memref<2000x256xf32, #tpu.memory_space<vmem>>) attributes {dimension_semantics = [#tpu.dimension_semantics<arbitrary>], iteration_bounds = array<i64: 98>, scalar_prefetch = 0 : i64, scratch_operands = 0 : i64, tpu.core_type = #tpu.core_type<tc>, window_params = [{transform_indices = @transform_0, window_bounds = array<i64: 512, 1>}, {transform_indices = @transform_1, window_bounds = array<i64: 512, 256>}, {pipeline_mode = #tpu.pipeline_mode<synchronous>, transform_indices = @transform_2, window_bounds = array<i64: 2000, 256>}]} {
    %eq3A = arith.constant 0 : i32
    %eq3A_0 = arith.cmpi eq, %arg0, %eq3A : i32
    %convert_element_type3A = arith.extui %eq3A_0 : i1 to i32
    %cond3A = arith.constant 0 : i32
    %cond3A_1 = arith.cmpi ne, %convert_element_type3A, %cond3A : i32
    scf.if %cond3A_1 {
      %broadcast_in_dim3A = arith.constant 0.000000e+00 : f32
      %broadcast_in_dim3A_17 = vector.broadcast %broadcast_in_dim3A : f32 to vector<2000x256xf32>
      %swap3A_18 = arith.constant 0 : index
      %swap3A_19 = arith.constant 0 : index
      %swap3A_20 = vector.load %arg3[%swap3A_18, %swap3A_19] : memref<2000x256xf32, #tpu.memory_space<vmem>>, vector<2000x256xf32>
      tpu.vector_store %arg3[%swap3A_18, %swap3A_19], %broadcast_in_dim3A_17 {strides = array<i32>} : memref<2000x256xf32, #tpu.memory_space<vmem>>, vector<2000x256xf32>,
    } else {
    }
    %get3A = arith.constant 0 : index
    %get3A_2 = arith.constant 0 : index
    %get3A_3 = vector.load %arg1[%get3A, %get3A_2] : memref<512x1xi32, #tpu.memory_space<vmem>>, vector<512x1xi32>
    %iota3A = tpu.iota {dimensions = array<i32: 1>} : vector<512x2000xi32>
    %eq3A_4 = vector.broadcast %get3A_3 : vector<512x1xi32> to vector<512x2000xi32>
    %eq3A_5 = arith.cmpi eq, %eq3A_4, %iota3A : vector<512x2000xi32>
    %convert_element_type3A_6 = arith.extui %eq3A_5 : vector<512x2000xi1> to vector<512x2000xi32>
    %convert_element_type3A_7 = arith.sitofp %convert_element_type3A_6 : vector<512x2000xi32> to vector<512x2000xf32>
    %get3A_8 = arith.constant 0 : index
    %get3A_9 = arith.constant 0 : index
    %get3A_10 = vector.load %arg3[%get3A_8, %get3A_9] : memref<2000x256xf32, #tpu.memory_space<vmem>>, vector<2000x256xf32>
    %get3A_11 = arith.constant 0 : index
    %get3A_12 = arith.constant 0 : index
    %get3A_13 = vector.load %arg2[%get3A_11, %get3A_12] : memref<512x256xf32, #tpu.memory_space<vmem>>, vector<512x256xf32>
    %dot_general3A = arith.constant dense<0.000000e+00> : vector<2000x256xf32>
    %dot_general3A_14 = tpu.matmul %convert_element_type3A_7, %get3A_13, %dot_general3A {dimension_numbers = #tpu.dot_dimension_numbers<[0], [0], [1], [1], [0, 1, 1, 1], [], []>, transpose_lhs_hint = false} : vector<512x2000xf32>, vector<512x256xf32>, vector<2000x256xf32> -> vector<2000x256xf32>
    %add3A = arith.addf %get3A_10, %dot_general3A_14 : vector<2000x256xf32>
    %swap3A = arith.constant 0 : index
    %swap3A_15 = arith.constant 0 : index
    %swap3A_16 = vector.load %arg3[%swap3A, %swap3A_15] : memref<2000x256xf32, #tpu.memory_space<vmem>>, vector<2000x256xf32>
    tpu.vector_store %arg3[%swap3A, %swap3A_15], %add3A {strides = array<i32>} : memref<2000x256xf32, #tpu.memory_space<vmem>>, vector<2000x256xf32>,
    return
  }
  func.func @transform_0(%arg0: i32) -> (i32, i32) {
    %c0_i32 = arith.constant 0 : i32
    %c0_i32_0 = arith.constant 0 : i32
    return %arg0, %c0_i32 : i32, i32
  }
  func.func @transform_1(%arg0: i32) -> (i32, i32) {
    %c0_i32 = arith.constant 0 : i32
    %c0_i32_0 = arith.constant 0 : i32
    return %arg0, %c0_i32 : i32, i32
  }
  func.func @transform_2(%arg0: i32) -> (i32, i32) {
    %c0_i32 = arith.constant 0 : i32
    %c0_i32_0 = arith.constant 0 : i32
    %c0_i32_1 = arith.constant 0 : i32
    return %c0_i32, %c0_i32_0 : i32, i32
  }
}

module attributes {stable_mosaic.version = 14 : i64} {
  func.func @_mol_mlp_kernel(%arg0: memref<2000x256xf32, #tpu.memory_space<vmem>>, %arg1: memref<256x512xf32, #tpu.memory_space<vmem>>, %arg2: memref<1x512xf32, #tpu.memory_space<vmem>>, %arg3: memref<512x128xf32, #tpu.memory_space<vmem>>, %arg4: memref<1x128xf32, #tpu.memory_space<vmem>>, %arg5: memref<2000x128xf32, #tpu.memory_space<vmem>>) attributes {dimension_semantics = [], scalar_prefetch = 0 : i64, scratch_operands = 0 : i64, tpu.core_type = #tpu.core_type<tc>} {
    %get3A = arith.constant 0 : index
    %get3A_0 = arith.constant 0 : index
    %get3A_1 = vector.load %arg0[%get3A, %get3A_0] : memref<2000x256xf32, #tpu.memory_space<vmem>>, vector<2000x256xf32>
    %get3A_2 = arith.constant 0 : index
    %get3A_3 = arith.constant 0 : index
    %get3A_4 = vector.load %arg1[%get3A_2, %get3A_3] : memref<256x512xf32, #tpu.memory_space<vmem>>, vector<256x512xf32>
    %dot_general3A = arith.constant dense<0.000000e+00> : vector<2000x512xf32>
    %dot_general3A_5 = tpu.matmul %get3A_1, %get3A_4, %dot_general3A {dimension_numbers = #tpu.dot_dimension_numbers<[1], [0], [0], [1], [0, 0, 1, 1], [], []>, transpose_lhs_hint = false} : vector<2000x256xf32>, vector<256x512xf32>, vector<2000x512xf32> -> vector<2000x512xf32>
    %get3A_6 = arith.constant 0 : index
    %get3A_7 = arith.constant 0 : index
    %get3A_8 = vector.load %arg2[%get3A_6, %get3A_7] : memref<1x512xf32, #tpu.memory_space<vmem>>, vector<1x512xf32>
    %add3A = vector.broadcast %get3A_8 : vector<1x512xf32> to vector<2000x512xf32>
    %add3A_9 = arith.addf %dot_general3A_5, %add3A : vector<2000x512xf32>
    %tanh3A = math.tanh %add3A_9 : vector<2000x512xf32>
    %get3A_10 = arith.constant 0 : index
    %get3A_11 = arith.constant 0 : index
    %get3A_12 = vector.load %arg3[%get3A_10, %get3A_11] : memref<512x128xf32, #tpu.memory_space<vmem>>, vector<512x128xf32>
    %dot_general3A_13 = arith.constant dense<0.000000e+00> : vector<2000x128xf32>
    %dot_general3A_14 = tpu.matmul %tanh3A, %get3A_12, %dot_general3A_13 {dimension_numbers = #tpu.dot_dimension_numbers<[1], [0], [0], [1], [0, 0, 1, 1], [], []>, transpose_lhs_hint = false} : vector<2000x512xf32>, vector<512x128xf32>, vector<2000x128xf32> -> vector<2000x128xf32>
    %get3A_15 = arith.constant 0 : index
    %get3A_16 = arith.constant 0 : index
    %get3A_17 = vector.load %arg4[%get3A_15, %get3A_16] : memref<1x128xf32, #tpu.memory_space<vmem>>, vector<1x128xf32>
    %add3A_18 = vector.broadcast %get3A_17 : vector<1x128xf32> to vector<2000x128xf32>
    %add3A_19 = arith.addf %dot_general3A_14, %add3A_18 : vector<2000x128xf32>
    %swap3A = arith.constant 0 : index
    %swap3A_20 = arith.constant 0 : index
    %swap3A_21 = vector.load %arg5[%swap3A, %swap3A_20] : memref<2000x128xf32, #tpu.memory_space<vmem>>, vector<2000x128xf32>
    tpu.vector_store %arg5[%swap3A, %swap3A_20], %add3A_19 {strides = array<i32>} : memref<2000x128xf32, #tpu.memory_space<vmem>>, vector<2000x128xf32>,
    return
  }
}

module attributes {stable_mosaic.version = 14 : i64} {
  func.func @_sum2_kernel(%arg0: i32, %arg1: memref<1024x128xf32, #tpu.memory_space<vmem>>, %arg2: memref<1024x128xf32, #tpu.memory_space<vmem>>, %arg3: memref<1024x1xf32, #tpu.memory_space<vmem>>, %arg4: memref<1024x1xf32, #tpu.memory_space<vmem>>) attributes {dimension_semantics = [#tpu.dimension_semantics<arbitrary>], iteration_bounds = array<i64: 49>, scalar_prefetch = 0 : i64, scratch_operands = 0 : i64, tpu.core_type = #tpu.core_type<tc>, window_params = [{transform_indices = @transform_0, window_bounds = array<i64: 1024, 128>}, {transform_indices = @transform_1, window_bounds = array<i64: 1024, 128>}, {transform_indices = @transform_2, window_bounds = array<i64: 1024, 1>}, {transform_indices = @transform_3, window_bounds = array<i64: 1024, 1>}]} {
    %get3A = arith.constant 0 : index
    %get3A_0 = arith.constant 2 : index
    %get3A_1 = vector.load %arg1[%get3A, %get3A_0] : memref<1024x128xf32, #tpu.memory_space<vmem>>, vector<1024x1xf32>
    %get3A_2 = arith.constant 0 : index
    %get3A_3 = arith.constant 2 : index
    %get3A_4 = vector.load %arg2[%get3A_2, %get3A_3] : memref<1024x128xf32, #tpu.memory_space<vmem>>, vector<1024x1xf32>
    %add3A = arith.addf %get3A_1, %get3A_4 : vector<1024x1xf32>
    %swap3A = arith.constant 0 : index
    %swap3A_5 = arith.constant 0 : index
    %swap3A_6 = vector.load %arg3[%swap3A, %swap3A_5] : memref<1024x1xf32, #tpu.memory_space<vmem>>, vector<1024x1xf32>
    tpu.vector_store %arg3[%swap3A, %swap3A_5], %add3A {strides = array<i32>} : memref<1024x1xf32, #tpu.memory_space<vmem>>, vector<1024x1xf32>,
    %get3A_7 = arith.constant 0 : index
    %get3A_8 = arith.constant 3 : index
    %get3A_9 = vector.load %arg1[%get3A_7, %get3A_8] : memref<1024x128xf32, #tpu.memory_space<vmem>>, vector<1024x1xf32>
    %get3A_10 = arith.constant 0 : index
    %get3A_11 = arith.constant 3 : index
    %get3A_12 = vector.load %arg2[%get3A_10, %get3A_11] : memref<1024x128xf32, #tpu.memory_space<vmem>>, vector<1024x1xf32>
    %add3A_13 = arith.addf %get3A_9, %get3A_12 : vector<1024x1xf32>
    %swap3A_14 = arith.constant 0 : index
    %swap3A_15 = arith.constant 0 : index
    %swap3A_16 = vector.load %arg4[%swap3A_14, %swap3A_15] : memref<1024x1xf32, #tpu.memory_space<vmem>>, vector<1024x1xf32>
    tpu.vector_store %arg4[%swap3A_14, %swap3A_15], %add3A_13 {strides = array<i32>} : memref<1024x1xf32, #tpu.memory_space<vmem>>, vector<1024x1xf32>,
    return
  }
  func.func @transform_0(%arg0: i32) -> (i32, i32) {
    %add3A = arith.constant 0 : i32
    %add3A_0 = arith.addi %add3A, %arg0 : i32
    %c0_i32 = arith.constant 0 : i32
    %c0_i32_1 = arith.constant 0 : i32
    return %add3A_0, %c0_i32 : i32, i32
  }
  func.func @transform_1(%arg0: i32) -> (i32, i32) {
    %add3A = arith.constant 49 : i32
    %add3A_0 = arith.addi %add3A, %arg0 : i32
    %c0_i32 = arith.constant 0 : i32
    %c0_i32_1 = arith.constant 0 : i32
    return %add3A_0, %c0_i32 : i32, i32
  }
  func.func @transform_2(%arg0: i32) -> (i32, i32) {
    %c0_i32 = arith.constant 0 : i32
    %c0_i32_0 = arith.constant 0 : i32
    return %arg0, %c0_i32 : i32, i32
  }
  func.func @transform_3(%arg0: i32) -> (i32, i32) {
    %c0_i32 = arith.constant 0 : i32
    %c0_i32_0 = arith.constant 0 : i32
    return %arg0, %c0_i32 : i32, i32
  }
}

module attributes {stable_mosaic.version = 14 : i64} {
  func.func @_sum3_kernel(%arg0: i32, %arg1: memref<1024x128xf32, #tpu.memory_space<vmem>>, %arg2: memref<1024x128xf32, #tpu.memory_space<vmem>>, %arg3: memref<1024x128xf32, #tpu.memory_space<vmem>>, %arg4: memref<1024x1xf32, #tpu.memory_space<vmem>>, %arg5: memref<1024x1xf32, #tpu.memory_space<vmem>>) attributes {dimension_semantics = [#tpu.dimension_semantics<arbitrary>], iteration_bounds = array<i64: 98>, scalar_prefetch = 0 : i64, scratch_operands = 0 : i64, tpu.core_type = #tpu.core_type<tc>, window_params = [{transform_indices = @transform_0, window_bounds = array<i64: 1024, 128>}, {transform_indices = @transform_1, window_bounds = array<i64: 1024, 128>}, {transform_indices = @transform_2, window_bounds = array<i64: 1024, 128>}, {transform_indices = @transform_3, window_bounds = array<i64: 1024, 1>}, {transform_indices = @transform_4, window_bounds = array<i64: 1024, 1>}]} {
    %get3A = arith.constant 0 : index
    %get3A_0 = arith.constant 6 : index
    %get3A_1 = vector.load %arg1[%get3A, %get3A_0] : memref<1024x128xf32, #tpu.memory_space<vmem>>, vector<1024x1xf32>
    %get3A_2 = arith.constant 0 : index
    %get3A_3 = arith.constant 6 : index
    %get3A_4 = vector.load %arg2[%get3A_2, %get3A_3] : memref<1024x128xf32, #tpu.memory_space<vmem>>, vector<1024x1xf32>
    %add3A = arith.addf %get3A_1, %get3A_4 : vector<1024x1xf32>
    %get3A_5 = arith.constant 0 : index
    %get3A_6 = arith.constant 8 : index
    %get3A_7 = vector.load %arg3[%get3A_5, %get3A_6] : memref<1024x128xf32, #tpu.memory_space<vmem>>, vector<1024x1xf32>
    %add3A_8 = arith.addf %add3A, %get3A_7 : vector<1024x1xf32>
    %swap3A = arith.constant 0 : index
    %swap3A_9 = arith.constant 0 : index
    %swap3A_10 = vector.load %arg4[%swap3A, %swap3A_9] : memref<1024x1xf32, #tpu.memory_space<vmem>>, vector<1024x1xf32>
    tpu.vector_store %arg4[%swap3A, %swap3A_9], %add3A_8 {strides = array<i32>} : memref<1024x1xf32, #tpu.memory_space<vmem>>, vector<1024x1xf32>,
    %get3A_11 = arith.constant 0 : index
    %get3A_12 = arith.constant 7 : index
    %get3A_13 = vector.load %arg1[%get3A_11, %get3A_12] : memref<1024x128xf32, #tpu.memory_space<vmem>>, vector<1024x1xf32>
    %get3A_14 = arith.constant 0 : index
    %get3A_15 = arith.constant 7 : index
    %get3A_16 = vector.load %arg2[%get3A_14, %get3A_15] : memref<1024x128xf32, #tpu.memory_space<vmem>>, vector<1024x1xf32>
    %add3A_17 = arith.addf %get3A_13, %get3A_16 : vector<1024x1xf32>
    %get3A_18 = arith.constant 0 : index
    %get3A_19 = arith.constant 9 : index
    %get3A_20 = vector.load %arg3[%get3A_18, %get3A_19] : memref<1024x128xf32, #tpu.memory_space<vmem>>, vector<1024x1xf32>
    %add3A_21 = arith.addf %add3A_17, %get3A_20 : vector<1024x1xf32>
    %swap3A_22 = arith.constant 0 : index
    %swap3A_23 = arith.constant 0 : index
    %swap3A_24 = vector.load %arg5[%swap3A_22, %swap3A_23] : memref<1024x1xf32, #tpu.memory_space<vmem>>, vector<1024x1xf32>
    tpu.vector_store %arg5[%swap3A_22, %swap3A_23], %add3A_21 {strides = array<i32>} : memref<1024x1xf32, #tpu.memory_space<vmem>>, vector<1024x1xf32>,
    return
  }
  func.func @transform_0(%arg0: i32) -> (i32, i32) {
    %add3A = arith.constant 392 : i32
    %add3A_0 = arith.addi %add3A, %arg0 : i32
    %c0_i32 = arith.constant 0 : i32
    %c0_i32_1 = arith.constant 0 : i32
    return %add3A_0, %c0_i32 : i32, i32
  }
  func.func @transform_1(%arg0: i32) -> (i32, i32) {
    %add3A = arith.constant 490 : i32
    %add3A_0 = arith.addi %add3A, %arg0 : i32
    %c0_i32 = arith.constant 0 : i32
    %c0_i32_1 = arith.constant 0 : i32
    return %add3A_0, %c0_i32 : i32, i32
  }
  func.func @transform_2(%arg0: i32) -> (i32, i32) {
    %add3A = arith.constant 588 : i32
    %add3A_0 = arith.addi %add3A, %arg0 : i32
    %c0_i32 = arith.constant 0 : i32
    %c0_i32_1 = arith.constant 0 : i32
    return %add3A_0, %c0_i32 : i32, i32
  }
  func.func @transform_3(%arg0: i32) -> (i32, i32) {
    %c0_i32 = arith.constant 0 : i32
    %c0_i32_0 = arith.constant 0 : i32
    return %arg0, %c0_i32 : i32, i32
  }
  func.func @transform_4(%arg0: i32) -> (i32, i32) {
    %c0_i32 = arith.constant 0 : i32
    %c0_i32_0 = arith.constant 0 : i32
    return %arg0, %c0_i32 : i32, i32
  }
}

module attributes {stable_mosaic.version = 14 : i64} {
  func.func @_sum2_kernel(%arg0: i32, %arg1: memref<1024x128xf32, #tpu.memory_space<vmem>>, %arg2: memref<1024x128xf32, #tpu.memory_space<vmem>>, %arg3: memref<1024x1xf32, #tpu.memory_space<vmem>>, %arg4: memref<1024x1xf32, #tpu.memory_space<vmem>>) attributes {dimension_semantics = [#tpu.dimension_semantics<arbitrary>], iteration_bounds = array<i64: 147>, scalar_prefetch = 0 : i64, scratch_operands = 0 : i64, tpu.core_type = #tpu.core_type<tc>, window_params = [{transform_indices = @transform_0, window_bounds = array<i64: 1024, 128>}, {transform_indices = @transform_1, window_bounds = array<i64: 1024, 128>}, {transform_indices = @transform_2, window_bounds = array<i64: 1024, 1>}, {transform_indices = @transform_3, window_bounds = array<i64: 1024, 1>}]} {
    %get3A = arith.constant 0 : index
    %get3A_0 = arith.constant 4 : index
    %get3A_1 = vector.load %arg1[%get3A, %get3A_0] : memref<1024x128xf32, #tpu.memory_space<vmem>>, vector<1024x1xf32>
    %get3A_2 = arith.constant 0 : index
    %get3A_3 = arith.constant 4 : index
    %get3A_4 = vector.load %arg2[%get3A_2, %get3A_3] : memref<1024x128xf32, #tpu.memory_space<vmem>>, vector<1024x1xf32>
    %add3A = arith.addf %get3A_1, %get3A_4 : vector<1024x1xf32>
    %swap3A = arith.constant 0 : index
    %swap3A_5 = arith.constant 0 : index
    %swap3A_6 = vector.load %arg3[%swap3A, %swap3A_5] : memref<1024x1xf32, #tpu.memory_space<vmem>>, vector<1024x1xf32>
    tpu.vector_store %arg3[%swap3A, %swap3A_5], %add3A {strides = array<i32>} : memref<1024x1xf32, #tpu.memory_space<vmem>>, vector<1024x1xf32>,
    %get3A_7 = arith.constant 0 : index
    %get3A_8 = arith.constant 5 : index
    %get3A_9 = vector.load %arg1[%get3A_7, %get3A_8] : memref<1024x128xf32, #tpu.memory_space<vmem>>, vector<1024x1xf32>
    %get3A_10 = arith.constant 0 : index
    %get3A_11 = arith.constant 5 : index
    %get3A_12 = vector.load %arg2[%get3A_10, %get3A_11] : memref<1024x128xf32, #tpu.memory_space<vmem>>, vector<1024x1xf32>
    %add3A_13 = arith.addf %get3A_9, %get3A_12 : vector<1024x1xf32>
    %swap3A_14 = arith.constant 0 : index
    %swap3A_15 = arith.constant 0 : index
    %swap3A_16 = vector.load %arg4[%swap3A_14, %swap3A_15] : memref<1024x1xf32, #tpu.memory_space<vmem>>, vector<1024x1xf32>
    tpu.vector_store %arg4[%swap3A_14, %swap3A_15], %add3A_13 {strides = array<i32>} : memref<1024x1xf32, #tpu.memory_space<vmem>>, vector<1024x1xf32>,
    return
  }
  func.func @transform_0(%arg0: i32) -> (i32, i32) {
    %add3A = arith.constant 98 : i32
    %add3A_0 = arith.addi %add3A, %arg0 : i32
    %c0_i32 = arith.constant 0 : i32
    %c0_i32_1 = arith.constant 0 : i32
    return %add3A_0, %c0_i32 : i32, i32
  }
  func.func @transform_1(%arg0: i32) -> (i32, i32) {
    %add3A = arith.constant 245 : i32
    %add3A_0 = arith.addi %add3A, %arg0 : i32
    %c0_i32 = arith.constant 0 : i32
    %c0_i32_1 = arith.constant 0 : i32
    return %add3A_0, %c0_i32 : i32, i32
  }
  func.func @transform_2(%arg0: i32) -> (i32, i32) {
    %c0_i32 = arith.constant 0 : i32
    %c0_i32_0 = arith.constant 0 : i32
    return %arg0, %c0_i32 : i32, i32
  }
  func.func @transform_3(%arg0: i32) -> (i32, i32) {
    %c0_i32 = arith.constant 0 : i32
    %c0_i32_0 = arith.constant 0 : i32
    return %arg0, %c0_i32 : i32, i32
  }
}

module attributes {stable_mosaic.version = 14 : i64} {
  func.func @_pair_kernel(%arg0: i32, %arg1: memref<1024x128xf32, #tpu.memory_space<vmem>>, %arg2: memref<1024x128xf32, #tpu.memory_space<vmem>>, %arg3: memref<1024x1xf32, #tpu.memory_space<vmem>>, %arg4: memref<1024x1xf32, #tpu.memory_space<vmem>>) attributes {dimension_semantics = [#tpu.dimension_semantics<arbitrary>], iteration_bounds = array<i64: 196>, scalar_prefetch = 0 : i64, scratch_operands = 0 : i64, tpu.core_type = #tpu.core_type<tc>, window_params = [{transform_indices = @transform_0, window_bounds = array<i64: 1024, 128>}, {transform_indices = @transform_1, window_bounds = array<i64: 1024, 128>}, {transform_indices = @transform_2, window_bounds = array<i64: 1024, 1>}, {transform_indices = @transform_3, window_bounds = array<i64: 1024, 1>}]} {
    %get3A = arith.constant 0 : index
    %get3A_0 = arith.constant 0 : index
    %get3A_1 = vector.load %arg1[%get3A, %get3A_0] : memref<1024x128xf32, #tpu.memory_space<vmem>>, vector<1024x1xf32>
    %get3A_2 = arith.constant 0 : index
    %get3A_3 = arith.constant 0 : index
    %get3A_4 = vector.load %arg2[%get3A_2, %get3A_3] : memref<1024x128xf32, #tpu.memory_space<vmem>>, vector<1024x1xf32>
    %mul3A = arith.mulf %get3A_1, %get3A_4 : vector<1024x1xf32>
    %abs3A = math.absf %mul3A : vector<1024x1xf32>
    %sqrt3A = math.sqrt %abs3A : vector<1024x1xf32>
    %swap3A = arith.constant 0 : index
    %swap3A_5 = arith.constant 0 : index
    %swap3A_6 = vector.load %arg3[%swap3A, %swap3A_5] : memref<1024x1xf32, #tpu.memory_space<vmem>>, vector<1024x1xf32>
    tpu.vector_store %arg3[%swap3A, %swap3A_5], %sqrt3A {strides = array<i32>} : memref<1024x1xf32, #tpu.memory_space<vmem>>, vector<1024x1xf32>,
    %get3A_7 = arith.constant 0 : index
    %get3A_8 = arith.constant 1 : index
    %get3A_9 = vector.load %arg1[%get3A_7, %get3A_8] : memref<1024x128xf32, #tpu.memory_space<vmem>>, vector<1024x1xf32>
    %get3A_10 = arith.constant 0 : index
    %get3A_11 = arith.constant 1 : index
    %get3A_12 = vector.load %arg2[%get3A_10, %get3A_11] : memref<1024x128xf32, #tpu.memory_space<vmem>>, vector<1024x1xf32>
    %mul3A_13 = arith.mulf %get3A_9, %get3A_12 : vector<1024x1xf32>
    %swap3A_14 = arith.constant 0 : index
    %swap3A_15 = arith.constant 0 : index
    %swap3A_16 = vector.load %arg4[%swap3A_14, %swap3A_15] : memref<1024x1xf32, #tpu.memory_space<vmem>>, vector<1024x1xf32>
    tpu.vector_store %arg4[%swap3A_14, %swap3A_15], %mul3A_13 {strides = array<i32>} : memref<1024x1xf32, #tpu.memory_space<vmem>>, vector<1024x1xf32>,
    return
  }
  func.func @transform_0(%arg0: i32) -> (i32, i32) {
    %add3A = arith.constant 686 : i32
    %add3A_0 = arith.addi %add3A, %arg0 : i32
    %c0_i32 = arith.constant 0 : i32
    %c0_i32_1 = arith.constant 0 : i32
    return %add3A_0, %c0_i32 : i32, i32
  }
  func.func @transform_1(%arg0: i32) -> (i32, i32) {
    %add3A = arith.constant 882 : i32
    %add3A_0 = arith.addi %add3A, %arg0 : i32
    %c0_i32 = arith.constant 0 : i32
    %c0_i32_1 = arith.constant 0 : i32
    return %add3A_0, %c0_i32 : i32, i32
  }
  func.func @transform_2(%arg0: i32) -> (i32, i32) {
    %c0_i32 = arith.constant 0 : i32
    %c0_i32_0 = arith.constant 0 : i32
    return %arg0, %c0_i32 : i32, i32
  }
  func.func @transform_3(%arg0: i32) -> (i32, i32) {
    %c0_i32 = arith.constant 0 : i32
    %c0_i32_0 = arith.constant 0 : i32
    return %arg0, %c0_i32 : i32, i32
  }
}

module attributes {stable_mosaic.version = 14 : i64} {
  func.func @_pair_kernel(%arg0: i32, %arg1: memref<1024x128xf32, #tpu.memory_space<vmem>>, %arg2: memref<1024x128xf32, #tpu.memory_space<vmem>>, %arg3: memref<1024x1xf32, #tpu.memory_space<vmem>>, %arg4: memref<1024x1xf32, #tpu.memory_space<vmem>>) attributes {dimension_semantics = [#tpu.dimension_semantics<arbitrary>], iteration_bounds = array<i64: 489>, scalar_prefetch = 0 : i64, scratch_operands = 0 : i64, tpu.core_type = #tpu.core_type<tc>, window_params = [{transform_indices = @transform_0, window_bounds = array<i64: 1024, 128>}, {transform_indices = @transform_1, window_bounds = array<i64: 1024, 128>}, {transform_indices = @transform_2, window_bounds = array<i64: 1024, 1>}, {transform_indices = @transform_3, window_bounds = array<i64: 1024, 1>}]} {
    %get3A = arith.constant 0 : index
    %get3A_0 = arith.constant 0 : index
    %get3A_1 = vector.load %arg1[%get3A, %get3A_0] : memref<1024x128xf32, #tpu.memory_space<vmem>>, vector<1024x1xf32>
    %get3A_2 = arith.constant 0 : index
    %get3A_3 = arith.constant 0 : index
    %get3A_4 = vector.load %arg2[%get3A_2, %get3A_3] : memref<1024x128xf32, #tpu.memory_space<vmem>>, vector<1024x1xf32>
    %mul3A = arith.mulf %get3A_1, %get3A_4 : vector<1024x1xf32>
    %abs3A = math.absf %mul3A : vector<1024x1xf32>
    %sqrt3A = math.sqrt %abs3A : vector<1024x1xf32>
    %swap3A = arith.constant 0 : index
    %swap3A_5 = arith.constant 0 : index
    %swap3A_6 = vector.load %arg3[%swap3A, %swap3A_5] : memref<1024x1xf32, #tpu.memory_space<vmem>>, vector<1024x1xf32>
    tpu.vector_store %arg3[%swap3A, %swap3A_5], %sqrt3A {strides = array<i32>} : memref<1024x1xf32, #tpu.memory_space<vmem>>, vector<1024x1xf32>,
    %get3A_7 = arith.constant 0 : index
    %get3A_8 = arith.constant 1 : index
    %get3A_9 = vector.load %arg1[%get3A_7, %get3A_8] : memref<1024x128xf32, #tpu.memory_space<vmem>>, vector<1024x1xf32>
    %get3A_10 = arith.constant 0 : index
    %get3A_11 = arith.constant 1 : index
    %get3A_12 = vector.load %arg2[%get3A_10, %get3A_11] : memref<1024x128xf32, #tpu.memory_space<vmem>>, vector<1024x1xf32>
    %mul3A_13 = arith.mulf %get3A_9, %get3A_12 : vector<1024x1xf32>
    %swap3A_14 = arith.constant 0 : index
    %swap3A_15 = arith.constant 0 : index
    %swap3A_16 = vector.load %arg4[%swap3A_14, %swap3A_15] : memref<1024x1xf32, #tpu.memory_space<vmem>>, vector<1024x1xf32>
    tpu.vector_store %arg4[%swap3A_14, %swap3A_15], %mul3A_13 {strides = array<i32>} : memref<1024x1xf32, #tpu.memory_space<vmem>>, vector<1024x1xf32>,
    return
  }
  func.func @transform_0(%arg0: i32) -> (i32, i32) {
    %add3A = arith.constant 1078 : i32
    %add3A_0 = arith.addi %add3A, %arg0 : i32
    %c0_i32 = arith.constant 0 : i32
    %c0_i32_1 = arith.constant 0 : i32
    return %add3A_0, %c0_i32 : i32, i32
  }
  func.func @transform_1(%arg0: i32) -> (i32, i32) {
    %add3A = arith.constant 1567 : i32
    %add3A_0 = arith.addi %add3A, %arg0 : i32
    %c0_i32 = arith.constant 0 : i32
    %c0_i32_1 = arith.constant 0 : i32
    return %add3A_0, %c0_i32 : i32, i32
  }
  func.func @transform_2(%arg0: i32) -> (i32, i32) {
    %c0_i32 = arith.constant 0 : i32
    %c0_i32_0 = arith.constant 0 : i32
    return %arg0, %c0_i32 : i32, i32
  }
  func.func @transform_3(%arg0: i32) -> (i32, i32) {
    %c0_i32 = arith.constant 0 : i32
    %c0_i32_0 = arith.constant 0 : i32
    return %arg0, %c0_i32 : i32, i32
  }
}

</mosaic_0001>

<sc_bundles>
// kernel: kernel.11.cloned.1.call-start
scs
__scs_entry_jumppad:
0x0: {  	(pc) =	sbr.rel $0x88, $3  }
0x1: {  	(tag) =	ssettag $0x0;
	lr =	simm.s32 $0x1  }
0x2: {  	[smem:$0x3F81] =	sst lr;
	_ =	strace $0xD0000000  }
0x3: {  	_ = 	snop  }
0x4: {  	_ = 	snop  }
0x5: {  	_ = 	snop  }
0x6: {  	_ = 	snop  }
0x7: {  	_ = 	snop  }
__scs_overlays_trampoline_lowered:
0x8: {  	[smem:$0x3F90] =	sst s0  }
0x9: {  	[smem:$0x3F91] =	sst s1  }
0xa: {  	[smem:$0x3F92] =	sst s2  }
0xb: {  	[smem:$0x3F93] =	sst s3  }
0xc: {  	[smem:$0x3F94] =	sst s4  }
0xd: {  	[smem:$0x3F95] =	sst s5  }
0xe: {  	[smem:$0x3F96] =	sst s6  }
0xf: {  	[smem:$0x3F97] =	sst s7  }
0x10: {  	[smem:$0x3F98] =	sst s8  }
0x11: {  	[smem:$0x3F99] =	sst s9;
	s0 =	simm.s32 @!p0 $0x0  }
0x12: {  	s1 =	sld [smem:$0x3F7F];
	s0 =	simm.s32 @p0 $0x1  }
0x13: {  	[smem:$0x3F9A] =	sst s0;
	s0 =	simm.s32 @!p1 $0x0  }
0x14: {  	s2 =	sld [smem:$0x3F7E];
	s0 =	simm.s32 @p1 $0x1  }
0x15: {  	[smem:$0x3F9B] =	sst s0;
	s0 =	simm.s32 @!p2 $0x0  }
0x16: {  	s3 =	sld [smem:$0x3FDB];
	s0 =	simm.s32 @p2 $0x1  }
0x17: {  	s4 =	simm.s32 $0x1BF5;
	[smem:$0x3F9D] =	sst s0  }
0x18: {  	s0 =	sld [smem:$0x3F80];
	_ =	swait.ge [sflag:s4], $0x0  }
0x19: {  	s7 =	sld [smem:$0x3F81]  }
0x1a: {  	s8 =	sadd.s32 $0xFFFFE003, lr  }
0x1b: {  	s9 =	sadd.s32 $0xFFFFFEF7, lr;
	s5 =	simm.s32 $0xFFFFFFFF;
	p2 =	slt.u32 s8, $0xFFFFF086  }
0x1c: {  	p1 =	slt.u32 s9, $0xF7A;
	s5 =	simm.s32 @!p2 $0x0  }
0x1d: {  	s5 =	simm.s32 @p1 $0x1;
	p0 =	seq.s32 s7, s2  }
0x1e: {  	s7 =	smul.u32 @!p0 $0xF7A, s2;
	p2 =	seq.s32 @!p0 s5, $0x0  }
0x1f: {  	s9 =	smul.u32 $0xF7A, s1;
	s8 =	simm.s32 @!p0 $0x1BF5;
	p2 =	por !p2, p0  }
0x20: {  	[sflag:s8] =	ssyncset.s32 @!p0 $0xFFFFF086;
	s6 =	sadd.s32 @!p0 s3, s7;
	s7 =	simm.s32 @!p0 $0x108  }
0x21: {  	s3 =	sadd.s32 s3, s9;
	s6 =	sadd.s32 @!p0 $0x88, s6;
	s7 =	simm.s32 @p2 $0x1082  }
0x22: {  	[simem:s7], [sflag:s8] =	dma.local @!p0 [hbm:s6], $0xF7A  }
0x23: {  	s9 =	sor.u32 $0xD0000000, s2;
	s6 =	simm.s32 $0x108;
	_ =	swait.ge @!p0 [sflag:s8], $0x0  }
0x24: {  	s3 =	sadd.s32 $0x88, s3;
	s6 =	simm.s32 @!p1 $0x1082;
	[sflag:s4] =	ssyncset.s32 $0xFFFFF086  }
0x25: {  	[simem:s6], [sflag:s4] =	dma.local [hbm:s3], $0xF7A  }
0x26: {  	[smem:$0x3F81] =	sst s1;
	(tag) =	ssettag s2;
	_ =	strace s9  }
0x27: {  	s1 =	sld [smem:$0x3F91]  }
0x28: {  	s2 =	sld [smem:$0x3F92]  }
0x29: {  	s4 =	sld [smem:$0x3F94]  }
0x2a: {  	p0 =	seq.s32 s5, $0x0;
	s5 =	sld [smem:$0x3F95]  }
0x2b: {  	s6 =	sld [smem:$0x3F96]  }
0x2c: {  	s7 =	sld [smem:$0x3F97]  }
0x2d: {  	s3 =	simm.s32 $0x108;
	s8 =	sld [smem:$0x3F98]  }
0x2e: {  	s3 =	simm.s32 @!p0 $0x1082;
	s9 =	sld [smem:$0x3F99]  }
0x2f: {  	lr =	sadd.s32 s0, s3;
	s0 =	sld [smem:$0x3F90]  }
0x30: {  	s3 =	sld [smem:$0x3F93]  }
0x31: {  	[smem:$0x3F9C] =	sst s10  }
0x32: {  	s10 =	sld [smem:$0x3F9A];
	_ =	sdelay $0x3  }
0x33: {  	p0 =	seq.s32 s10, $0x1;
	s10 =	sld [smem:$0x3F9C];
	_ =	sdelay $0x3  }
0x34: {  	[smem:$0x3F9C] =	sst s10  }
0x35: {  	s10 =	sld [smem:$0x3F9B];
	_ =	sdelay $0x3  }
0x36: {  	p1 =	seq.s32 s10, $0x1;
	s10 =	sld [smem:$0x3F9C];
	_ =	sdelay $0x3  }
0x37: {  	[smem:$0x3F9C] =	sst s10  }
0x38: {  	s10 =	sld [smem:$0x3F9D]  }
0x39: {  	_ = 	snop;
	(pc) =	sbr.ind lr, $3  }
0x3a: {  	_ = 	snop  }
0x3b: {  	_ = 	snop  }
0x3c: {  	p2 =	seq.s32 s10, $0x1;
	s10 =	sld [smem:$0x3F9C]  }
0x3d: {  	_ =	shalt  }
0x3e: {  	_ =	shalt  }
0x3f: {  	_ =	shalt  }
0x40: {  	_ =	shalt  }
0x41: {  	_ =	shalt  }
0x42: {  	_ =	shalt  }
0x43: {  	_ =	shalt  }
0x44: {  	_ =	shalt  }
0x45: {  	_ =	shalt  }
0x46: {  	_ =	shalt  }
0x47: {  	_ =	shalt  }
0x48: {  	_ =	shalt  }
0x49: {  	_ =	shalt  }
0x4a: {  	_ =	shalt  }
0x4b: {  	_ =	shalt  }
0x4c: {  	_ =	shalt  }
0x4d: {  	_ =	shalt  }
0x4e: {  	_ =	shalt  }
0x4f: {  	_ =	shalt  }
0x50: {  	_ =	shalt  }
0x51: {  	_ =	shalt  }
0x52: {  	_ =	shalt  }
0x53: {  	_ =	shalt  }
0x54: {  	_ =	shalt  }
0x55: {  	_ =	shalt  }
0x56: {  	_ =	shalt  }
0x57: {  	_ =	shalt  }
0x58: {  	_ =	shalt  }
0x59: {  	_ =	shalt  }
0x5a: {  	_ =	shalt  }
0x5b: {  	_ =	shalt  }
0x5c: {  	_ =	shalt  }
0x5d: {  	_ =	shalt  }
0x5e: {  	_ =	shalt  }
0x5f: {  	_ =	shalt  }
0x60: {  	_ =	shalt  }
0x61: {  	_ =	shalt  }
0x62: {  	_ =	shalt  }
0x63: {  	_ =	shalt  }
0x64: {  	_ =	shalt  }
0x65: {  	_ =	shalt  }
0x66: {  	_ =	shalt  }
0x67: {  	_ =	shalt  }
0x68: {  	_ =	shalt  }
0x69: {  	_ =	shalt  }
0x6a: {  	_ =	shalt  }
0x6b: {  	_ =	shalt  }
0x6c: {  	_ =	shalt  }
0x6d: {  	_ =	shalt  }
0x6e: {  	_ =	shalt  }
0x6f: {  	_ =	shalt  }
0x70: {  	_ =	shalt  }
0x71: {  	_ =	shalt  }
0x72: {  	_ =	shalt  }
0x73: {  	_ =	shalt  }
0x74: {  	_ =	shalt  }
0x75: {  	_ =	shalt  }
0x76: {  	_ =	shalt  }
0x77: {  	_ =	shalt  }
0x78: {  	_ =	shalt  }
0x79: {  	_ =	shalt  }
0x7a: {  	_ =	shalt  }
0x7b: {  	_ =	shalt  }
0x7c: {  	_ =	shalt  }
0x7d: {  	_ =	shalt  }
0x7e: {  	_ =	shalt  }
0x7f: {  	_ =	shalt  }
0x80: {  	_ =	shalt  }
0x81: {  	_ =	shalt  }
0x82: {  	_ =	shalt  }
0x83: {  	_ =	shalt  }
0x84: {  	_ =	shalt  }
0x85: {  	_ =	shalt  }
0x86: {  	_ =	shalt  }
0x87: {  	_ =	shalt  }
.Lfunc_end0:
.L_simem_size_0:
called_computation_lowered:
.L_overlay_start_0:
0x88: {  	s2 =	sld [smem:$0x3FD9]  }
0x89: {  	s3 =	sld [smem:$0x3FFE];
	_ =	sdelay $0x1  }
0x8a: {  	s1 =	srdreg.scid  }
0x8b: {  	s0 =	sand.u32 $0x1, s1  }
0x8c: {  	s16 =	sshll.u32 s0, $0xA;
	s2 =	sadd.s32 s3, s2  }
0x8d: {  	s2 =	sadd.s32 s2, s16  }
0x8e: {  	[smem:$0x3FA8] =	sst s2  }
0x8f: {  	_ = 	snop  }
0x90: {  	(tm) =	ssettm $0x1  }
0x91: {  	s17 =	sld [smem:$0x3FFB];
	_ =	sdelay $0x3  }
0x92: {  	_ =	strace s17  }
0x93: {  	s2 =	sld [smem:$0x3FFC];
	_ =	sdelay $0x3  }
0x94: {  	_ =	strace s2  }
0x95: {  	s2 =	sld [smem:$0x3FFD];
	_ =	sdelay $0x3  }
0x96: {  	_ =	strace s2  }
0x97: {  	_ =	strace $0x8FFFFFFF  }
0x98: {  	s18 =	sld [smem:$0x3FDB];
	_ =	sdelay $0x1  }
0x99: {  	s19 =	simm.s32 $_scs_section_size  }
0x9a: {  	s4 =	simm.s32 $_size__tile_overlayer_lowered;
	s5 =	simm.s32 $_tile_overlayer_lowered  }
0x9b: {  	s22 =	simm.s32 $0x1BFF;
	s21 =	sshll.u32 s5, $0x1;
	s2 =	sadd.s32 s19, s18  }
0x9c: {  	s6 =	simm.s32 $0x0;
	s20 =	sshll.u32 s4, $0x1;
	s4 =	sadd.s32 s21, s2  }
0x9d: {  	[timem:s6], [sflag:s22] =	dma.local [hbm:s4], s20  }
0x9e: {  	_ =	swait.ge [sflag:s22], s20  }
0x9f: {  	s3 =	ssub.s32 $0x0, s20;
	[sflag:s22] =	ssyncset.done $0x0  }
0xa0: {  	[sflag:s22] =	ssyncadd.s32 s3;
	_ =	sdelay $0x1  }
0xa1: {  	s23 =	simm.s32 $0x1B8B  }
0xa2: {  	_ =	swait.ge [sflag:s23], $0x1  }
0xa3: {  	[sflag:s23] =	ssyncset.done $0x0  }
0xa4: {  	s25 =	simm.s32 $0x1B8E;
	s24 =	sld [smem:$0x3FFE];
	[sflag:s23] =	ssyncadd.s32 $0xFFFFFFFF  }
0xa5: {  	s26 =	simm.s32 $execute0_lowered;
	[smem:$0x3FD2] =	sst s25  }
0xa6: {  	s4 =	sshll.u32 s26, $0x1;
	_ =	strace $0x80000046;
	[dreg:$0x1] =	wrdreg $0xFFFFFFFF  }
0xa7: {  	s28 =	simm.s32 $_size_execute0_lowered;
	s2 =	sadd.s32 s2, s4;
	[dreg:$0x0] =	wrdreg $0x0  }
0xa8: {  	s4 =	sshll.u32 s28, $0x1;
	[dreg:$0x2] =	wrdreg s2  }
0xa9: {  	[dreg:$0x3] =	wrdreg s4  }
0xaa: {  	[dreg:$0x4] =	wrdreg $0xC0  }
0xab: {  	_ =	task [dreg:s6], $0x5FFFF  }
0xac: {  	[dreg:$0x1] =	wrdreg $0xFFFFFFFF  }
0xad: {  	[dreg:$0x0] =	wrdreg $0x60  }
0xae: {  	[dreg:$0x2] =	wrdreg s24  }
0xaf: {  	[dreg:$0x3] =	wrdreg $0x9  }
0xb0: {  	_ =	task.clear_ibuf [dreg:s6], $0x4FFFF;
	_ =	strace $0x90000046  }
0xb1: {  	s29 =	simm.s32 $0x9;
	_ =	strace $0x80000048  }
0xb2: {  	_ =	swait.ge [sflag:s29], $0x1  }
0xb3: {  	[sflag:s29] =	ssyncadd.s32 $0xFFFFFFFF  }
0xb4: {  	_ =	strace $0x90000048  }
0xb5: {  	_ =	sfence  }
0xb6: {  	s30 =	sld [smem:$0x0];
	_ =	sdelay $0x2  }
0xb7: {  	s31 =	sshll.u32 s1, $0xD;
	s1 =	sshrl.u32 s1, $0x2  }
0xb8: {  	s3 =	sand.u32 $0x4000, s31;
	s1 =	sadd.s32 s1, s30  }
0xb9: {  	s0 =	sor.u32 s3, s0;
	s1 =	sshll.u32 s1, $0x11  }
0xba: {  	s0 =	sor.u32 s1, s0  }
0xbb: {  	s0 =	sadd.s32 $0x8F2B, s0  }
0xbc: {  	[sflag:s0] =	ssyncadd.remote.s32 $0x1  }
0xbd: {  	_ =	sfence.sel $0xFFFF  }
0xbe: {  	[dreg:$0x0] =	wrdreg $0xFFFFFFFF;
	(pc) =	sbr.abs _section_cstart, $3  }
0xbf: {  	[dreg:$0x1] =	wrdreg $0xFFFFFFFF  }
0xc0: {  	_ =	task.clear_ibuf [dreg:s6], $0x2FFFF;
	_ =	strace $0x9FFFFFFF  }
0xc1: {  	(tm) =	ssettm $0x7FFFFFFF  }
tec
execute0_lowered:
.L_overlay_start_1:
0x0: {  	(tag) =	ssettag $0x1  }
0x1: {  	s2 =	rddreg [dreg:$0x0]  }
0x2: {  	s0 =	rddreg [dreg:$0x1];
	s1 =	stileid.u32  }
0x3: {  	s4 =	srdreg.scid;
	s3 =	simm.s32 $0x0;
	s5 =	smul.u32 $0x20200, s1  }
0x4: {  	s10 =	simm.s32 $0x0;
	s4 =	sand.u32 $0x1, s4;
	s7 =	smul.u32 $0x202000, s1  }
0x5: {  	[smem:$0x7FF] =	sst s3;
	s6 =	smul.u32 $0x10100, s4;
	s8 =	ssub.s32 $0x2, s4  }
0x6: {  	_ =	strace $0x80000047;
	s9 =	smul.u32 $0x101000, s4;
	s28 =	sshrl.u32 s8, $0x1  }
0x7: {  	s30 =	sadd.s32 s7, s2;
	s7 =	simm.s32 $0x2;
	s5 =	sadd.s32 s6, s5  }
0x8: {  	s6 =	ssub.s32 s8, s28;
	s8 =	simm.s32 $0x100;
	s29 =	sshrl.u32 s5, $0x3  }
0x9: {  	s4 =	smax.u32 s6, $0x1;
	s5 =	sadd.s32 s9, s30;
	s31 =	sadd.s32 s29, s2  }
0xa: {  	s9 =	simm.s32 $0x1;
	s5 =	sadd.s32 $0x103A00, s5;
	s6 =	sadd.s32 $0xC3600, s31  }
.LBB2_1:
0xb: {  	s11 =	sadd.s32 $0x0, s6  }
0xc: {  	[tilespmem:s3], [sflag:$0x2] =	stream.linear.gather [hbm4b:s11+s3], $0x100, $0x38;
	[tilespmem:$0x8100] =	vst v63  }
0xd: {  	_ =	swait.ge [sflag:s7], $0x100  }
0xe: {  	[sflag:s7] =	ssyncset.done $0x0  }
0xf: {  	[sflag:s7] =	ssyncadd.s32 $0xFFFFFF00  }
0x10: {  	[tilespmem:s8], [sflag:$0x1] =	stream.indirect.gather [hbm4b:s2+s8], $0x80, s3, s8, $0xb8;
	[tilespmem:$0x8100] =	vst v63  }
0x11: {  	_ =	swait.ge [sflag:s9], $0x8000  }
0x12: {  	[sflag:s9] =	ssyncset.done $0x0  }
0x13: {  	[sflag:s9] =	ssyncadd.s32 $0xFFFF8000  }
0x14: {  	[hbm4b:s5+s3] =	stream.linear.scatter [tilespmem:s8], [sflag:$0x2], $0x8000, $0x38;
	[tilespmem:$0x8100] =	vst v63  }
0x15: {  	s12 =	simm.s32 $0x20;
	_ =	swait.ge [sflag:s7], $0x8000  }
0x16: {  	s13 =	simm.s32 $0x40;
	s11 =	sadd.s32 $0x1000, s5;
	[sflag:s7] =	ssyncset.done $0x0  }
.LBB2_2:
0x17: {  	s14 =	sadd.s32 s12, s6  }
0x18: {  	[sflag:s7] =	ssyncadd.s32 $0xFFFF8000;
	s12 =	smov.u32 s13;
	s15 =	sadd.s32 $0x20, s13  }
0x19: {  	[tilespmem:s3], [sflag:$0x2] =	stream.linear.gather [hbm4b:s14+s3], $0x100, $0x38;
	[tilespmem:$0x8100] =	vst v63  }
0x1a: {  	p0 =	sne.s32 s13, $0x2000;
	_ =	swait.ge [sflag:s7], $0x100  }
0x1b: {  	[sflag:s7] =	ssyncset.done $0x0  }
0x1c: {  	[sflag:s7] =	ssyncadd.s32 $0xFFFFFF00  }
0x1d: {  	[tilespmem:s8], [sflag:$0x1] =	stream.indirect.gather [hbm4b:s2+s8], $0x80, s3, s8, $0xb8;
	[tilespmem:$0x8100] =	vst v63  }
0x1e: {  	_ =	swait.ge [sflag:s9], $0x8000  }
.Ltmp0:
0x1f: {  	[sflag:s9] =	ssyncset.done $0x0;
	(pc) =	sbr.rel @p0 .LBB2_2-.Ltmp0, $4  }
0x20: {  	[sflag:s9] =	ssyncadd.s32 $0xFFFF8000  }
0x21: {  	[hbm4b:s11+s3] =	stream.linear.scatter [tilespmem:s8], [sflag:$0x2], $0x8000, $0x38;
	[tilespmem:$0x8100] =	vst v63  }
0x22: {  	_ =	swait.ge [sflag:s7], $0x8000  }
0x23: {  	s13 =	smov.u32 s15;
	s11 =	sadd.s32 $0x1000, s11;
	[sflag:s7] =	ssyncset.done $0x0  }
0x24: {  	s12 =	sadd.s32 s12, s6;
	[sflag:s7] =	ssyncadd.s32 $0xFFFF8000  }
0x25: {  	[tilespmem:s3], [sflag:$0x2] =	stream.linear.gather [hbm4b:s12+s3], $0x100, $0x38;
	[tilespmem:$0x8100] =	vst v63  }
0x26: {  	_ =	swait.ge [sflag:s7], $0x100  }
0x27: {  	[sflag:s7] =	ssyncset.done $0x0  }
0x28: {  	[sflag:s7] =	ssyncadd.s32 $0xFFFFFF00  }
0x29: {  	[tilespmem:s8], [sflag:$0x1] =	stream.indirect.gather [hbm4b:s2+s8], $0x80, s3, s8, $0xb8;
	[tilespmem:$0x8100] =	vst v63  }
0x2a: {  	s10 =	sadd.s32 $0x1, s10;
	_ =	swait.ge [sflag:s9], $0x8000  }
0x2b: {  	p0 =	sne.s32 s10, s4;
	[sflag:s9] =	ssyncset.done $0x0  }
.Ltmp1:
0x2c: {  	[sflag:s9] =	ssyncadd.s32 $0xFFFF8000;
	(pc) =	sbr.rel @p0 .LBB2_1-.Ltmp1, $4  }
0x2d: {  	[hbm4b:s11+s3] =	stream.linear.scatter [tilespmem:s8], [sflag:$0x2], $0x8000, $0x38;
	[tilespmem:$0x8100] =	vst v63  }
0x2e: {  	_ =	swait.ge [sflag:s7], $0x8000  }
0x2f: {  	[sflag:s7] =	ssyncset.done $0x0  }
0x30: {  	[sflag:s7] =	ssyncadd.s32 $0xFFFF8000  }
0x31: {  	_ =	sfence.sel $0x180000  }
0x32: {  	[bflag:$0x0] =	sbarrier.arrive $0xFFFF  }
0x33: {  	p0 =	sne.s32 s1, $0x0;
	_ =	strace $0x90000047  }
0x34: {  	s0 =	sadd.s32 @!p0 $0x100000, s0;
	[bflag:$0x2] =	sbarrier.arrive $0xFFFF  }
0x35: {  	[sflag:s0] =	ssyncadd.tile.s32 @!p0 $0x1;
	_ =	shalt  }
.Lfunc_end2:
_tile_overlayer_lowered:
.L_overlay_start_2:
0x36: {  	(tag) =	ssettag $0x2  }
0x37: {  	s0 =	rddreg [dreg:$0x0];
	s2 =	stileid.u32  }
0x38: {  	s1 =	rddreg [dreg:$0x1];
	p0 =	sne.s32 s2, $0x0  }
0x39: {  	s3 =	rddreg [dreg:$0x2];
	[bflag:$0x3] =	sbarrier.arrive $0xFFFF;
	s2 =	simm.s32 @!p0 $0x1C02  }
0x3a: {  	[timem:s3], [sflag:s2] =	dma.local @!p0 [hbm:s0], s1  }
0x3b: {  	s0 =	simm.s32 @!p0 $0x2  }
0x3c: {  	_ =	swait.ge @!p0 [sflag:s0], s1  }
0x3d: {  	s1 =	ssub.s32 @!p0 $0x0, s1;
	[sflag:s0] =	ssyncset.done @!p0 $0x0  }
0x3e: {  	[sflag:s0] =	ssyncadd.s32 @!p0 s1  }
0x3f: {  	[bflag:$0x3] =	sbarrier.arrive $0xFFFF  }
0x40: {  	_ =	shalt  }

</sc_bundles>
